<compile_context>
chip_gen: v7x
topology: tpu7x:2x2x1
jax: 0.10.2.dev20260603
libtpu: 0.0.44.dev20260713+nightly
codegen_flags: <defaults>
</compile_context>

<pallas_src>
import functools

import jax
import jax.numpy as jnp
from jax import lax
from jax.experimental import pallas as pl
from jax.experimental.pallas import tpu as pltpu
from jax.experimental.pallas import tpu_sc as plsc

N = 10000
E = 320000
G = 100
D = 128
NHEADS = 4
ALPHA = 0.5
R = 25
NCLS = 10
M = 160

NC, NS = 2, 16
NW = NC * NS
CH = 128
NPAD = 10240
DUMP = 10220
CNT_BASE = 10000
DUMP_CNT = 10230

_MESH = dict(core_axis_name="c", subcore_axis_name="s", num_cores=NC,
             num_subcores=NS)


def _ceil_div(a, b):
    return -(-a // b)



@functools.partial(jax.jit, static_argnames=("d", "k", "ch"))
def _sc_prop(table, src3, dst3, zeros, *, d, k, ch):
    rows_pt = NPAD // NS
    mesh = plsc.VectorSubcoreMesh(**_MESH)

    assert k % 2 == 0

    @functools.partial(
        pl.kernel,
        out_type=jax.ShapeDtypeStruct((NC, NPAD, d), jnp.float32),
        mesh=mesh,
        scratch_types=[
            pltpu.VMEM((2, ch), jnp.int32),
            pltpu.VMEM((k, ch), jnp.int32),
            pltpu.VMEM((ch, d), jnp.float32),
            pltpu.VMEM((ch, d), jnp.float32),
            pltpu.VMEM_SHARED((NPAD, d), jnp.float32),
            pltpu.SemaphoreType.DMA,
            pltpu.SemaphoreType.DMA,
            pltpu.SemaphoreType.DMA,
            pltpu.SemaphoreType.DMA,
        ],
    )
    def kfn(table_hbm, src_hbm, dst_hbm, zero_hbm, out_hbm,
            iring, didx, bufa, bufb, accum, isa, isb, gsa, gsb):
        c = lax.axis_index("c")
        s = lax.axis_index("s")
        w = c * NS + s
        pltpu.sync_copy(zero_hbm, accum.at[pl.ds(s * rows_pt, rows_pt)])
        pltpu.sync_copy(dst_hbm.at[w], didx)
        plsc.subcore_barrier()
        pltpu.async_copy(src_hbm.at[w, 0], iring.at[0], isa)
        pltpu.async_copy(src_hbm.at[w, 1], iring.at[1], isb)
        pltpu.make_async_copy(src_hbm.at[w, 0], iring.at[0], isa).wait()
        pltpu.async_copy(table_hbm.at[iring.at[0]], bufa, gsa)

        def body(jj, carry):
            j0 = 2 * jj
            j1 = j0 + 1
            pltpu.make_async_copy(src_hbm.at[w, j1], iring.at[1], isb).wait()
            pltpu.async_copy(table_hbm.at[iring.at[1]], bufb, gsb)
            pltpu.make_async_copy(table_hbm.at[iring.at[0]], bufa, gsa).wait()
            pltpu.sync_copy(bufa, accum.at[didx.at[j0]], add=True)

            @pl.when(jj < k // 2 - 1)
            def _():
                pltpu.async_copy(src_hbm.at[w, j0 + 2], iring.at[0], isa)

            pltpu.make_async_copy(table_hbm.at[iring.at[1]], bufb, gsb).wait()
            pltpu.sync_copy(bufb, accum.at[didx.at[j1]], add=True)

            @pl.when(jj < k // 2 - 1)
            def _():
                pltpu.make_async_copy(src_hbm.at[w, j0 + 2], iring.at[0],
                                      isa).wait()
                pltpu.async_copy(table_hbm.at[iring.at[0]], bufa, gsa)
                pltpu.async_copy(src_hbm.at[w, j1 + 2], iring.at[1], isb)

            return carry

        lax.fori_loop(0, k // 2, body, 0)
        plsc.subcore_barrier()
        pltpu.sync_copy(accum.at[pl.ds(s * rows_pt, rows_pt)],
                        out_hbm.at[c, pl.ds(s * rows_pt, rows_pt)])

    return kfn(table, src3, dst3, zeros)


@functools.partial(jax.jit, static_argnames=("k",))
def _sc_counts(dst3, ones, zeros, *, k):
    rows_pt = NPAD // NS
    mesh = plsc.VectorSubcoreMesh(**_MESH)

    @functools.partial(
        pl.kernel,
        out_type=jax.ShapeDtypeStruct((NC, NPAD, 16), jnp.float32),
        mesh=mesh,
        scratch_types=[
            pltpu.VMEM((k, CH), jnp.int32),
            pltpu.VMEM((CH, 16), jnp.float32),
            pltpu.VMEM_SHARED((NPAD, 16), jnp.float32),
        ],
        compiler_params=pltpu.CompilerParams(use_tc_tiling_on_sc=False),
    )
    def kfn(dst_hbm, ones_hbm, zero_hbm, out_hbm, didx, buf, accum):
        c = lax.axis_index("c")
        s = lax.axis_index("s")
        w = c * NS + s
        pltpu.sync_copy(zero_hbm, accum.at[pl.ds(s * rows_pt, rows_pt)])
        pltpu.sync_copy(dst_hbm.at[w], didx)
        pltpu.sync_copy(ones_hbm, buf)
        plsc.subcore_barrier()

        def body(j, carry):
            pltpu.sync_copy(buf, accum.at[didx.at[j]], add=True)
            return carry

        lax.fori_loop(0, k, body, 0)
        plsc.subcore_barrier()
        pltpu.sync_copy(accum.at[pl.ds(s * rows_pt, rows_pt)],
                        out_hbm.at[c, pl.ds(s * rows_pt, rows_pt)])

    return kfn(dst3, ones, zeros)


@functools.partial(jax.jit, static_argnames=("k",))
def _sc_prop_narrow(t, src3, dst3, zeros, *, k):
    rows_pt = NPAD // NS
    mesh = plsc.VectorSubcoreMesh(**_MESH)

    @functools.partial(
        pl.kernel,
        out_type=jax.ShapeDtypeStruct((NC, NPAD, 16), jnp.float32),
        mesh=mesh,
        scratch_types=[
            pltpu.VMEM((N,), jnp.float32),
            pltpu.VMEM((k, CH), jnp.int32),
            pltpu.VMEM((k, CH), jnp.int32),
            pltpu.VMEM((CH, 16), jnp.float32),
            pltpu.VMEM_SHARED((NPAD, 16), jnp.float32),
        ],
        compiler_params=pltpu.CompilerParams(
            needs_layout_passes=False, use_tc_tiling_on_sc=False),
    )
    def kfn(t_hbm, src_hbm, dst_hbm, zero_hbm, out_hbm,
            tv, sidx, didx, buf, accum):
        c = lax.axis_index("c")
        s = lax.axis_index("s")
        w = c * NS + s
        pltpu.sync_copy(zero_hbm, accum.at[pl.ds(s * rows_pt, rows_pt)])
        pltpu.sync_copy(t_hbm, tv)
        pltpu.sync_copy(src_hbm.at[w], sidx)
        pltpu.sync_copy(dst_hbm.at[w], didx)
        pltpu.sync_copy(zero_hbm.at[pl.ds(0, CH)], buf)
        plsc.subcore_barrier()
        lane = lax.iota(jnp.int32, 16)
        col0 = jnp.zeros((16,), jnp.int32)

        def chunk(j, carry):
            def grp(g, c2):
                sv = sidx[j, pl.ds(g * 16, 16)]
                vals = plsc.load_gather(tv, [sv])
                plsc.store_scatter(buf, [g * 16 + lane, col0], vals)
                return c2

            lax.fori_loop(0, 8, grp, 0)
            pltpu.sync_copy(buf, accum.at[didx.at[j]], add=True)
            return carry

        lax.fori_loop(0, k, chunk, 0)
        plsc.subcore_barrier()
        pltpu.sync_copy(accum.at[pl.ds(s * rows_pt, rows_pt)],
                        out_hbm.at[c, pl.ds(s * rows_pt, rows_pt)])

    return kfn(t, src3, dst3, zeros)


@functools.partial(jax.jit, static_argnames=("k",))
def _sc_gather_narrow(t, idx3, *, k):
    mesh = plsc.VectorSubcoreMesh(**_MESH)

    @functools.partial(
        pl.kernel,
        out_type=jax.ShapeDtypeStruct((NW * k * CH,), jnp.float32),
        mesh=mesh,
        scratch_types=[
            pltpu.VMEM((N,), jnp.float32),
            pltpu.VMEM((k, CH), jnp.int32),
            pltpu.VMEM((k * CH,), jnp.float32),
        ],
        compiler_params=pltpu.CompilerParams(needs_layout_passes=False),
    )
    def kfn(t_hbm, idx_hbm, out_hbm, tv, idxb, obuf):
        c = lax.axis_index("c")
        s = lax.axis_index("s")
        w = c * NS + s
        pltpu.sync_copy(t_hbm, tv)
        pltpu.sync_copy(idx_hbm.at[w], idxb)

        def chunk(j, carry):
            def grp(g, c2):
                sv = idxb[j, pl.ds(g * 16, 16)]
                obuf[pl.ds(j * CH + g * 16, 16)] = plsc.load_gather(tv, [sv])
                return c2

            lax.fori_loop(0, 8, grp, 0)
            return carry

        lax.fori_loop(0, k, chunk, 0)
        pltpu.sync_copy(obuf, out_hbm.at[pl.ds(w * k * CH, k * CH)])

    return kfn(t, idx3)


@functools.partial(jax.jit, static_argnames=("d", "k"))
def _sc_gather(table, idx3, *, d, k):
    mesh = plsc.VectorSubcoreMesh(**_MESH)

    @functools.partial(
        pl.kernel,
        out_type=jax.ShapeDtypeStruct((NW * k * CH, d), jnp.float32),
        mesh=mesh,
        scratch_types=[
            pltpu.VMEM((k, CH), jnp.int32),
            pltpu.VMEM((CH, d), jnp.float32),
            pltpu.SemaphoreType.DMA,
        ],
    )
    def kfn(table_hbm, idx_hbm, out_hbm, idxb, buf, sem):
        c = lax.axis_index("c")
        s = lax.axis_index("s")
        w = c * NS + s
        pltpu.sync_copy(idx_hbm.at[w], idxb)

        def body(j, carry):
            pltpu.async_copy(table_hbm.at[idxb.at[j]], buf, sem).wait()
            pltpu.sync_copy(buf, out_hbm.at[pl.ds(w * k * CH + j * CH, CH)])
            return carry

        lax.fori_loop(0, k, body, 0)

    return kfn(table, idx3)


def _pad_to_tiles(v, fill, k, ch=CH):
    tot = NW * k * ch
    v = jnp.concatenate(
        [v.astype(jnp.int32),
         jnp.full((tot - v.shape[0],), fill, jnp.int32)])
    return v.reshape(NW, k, ch)



BR = 1000
GN = N // BR

_rows = lambda i: (i, 0)
_rows3 = lambda i: (0, i, 0)
_full = lambda i: (0, 0)
_full1 = lambda i: (0,)


def _dinv_of(cnt_ref):
    deg = cnt_ref[0][:, 0:1] + cnt_ref[1][:, 0:1] + 1.0
    return lax.rsqrt(jnp.maximum(deg, 1e-12))


@jax.jit
def _tc_prep(x, cnt, We, be, Wa, Wb):
    def body(x_ref, cnt_ref, we_ref, be_ref, wa_ref, wb_ref, ta_ref, tb_ref):
        dinv = _dinv_of(cnt_ref)
        h = jnp.dot(x_ref[...], we_ref[...]) + be_ref[...]
        ta_ref[...] = dinv * jnp.dot(h, wa_ref[...])
        tb_ref[...] = dinv * jnp.dot(h, wb_ref[...])

    return pl.pallas_call(
        body, grid=(GN,),
        in_specs=[pl.BlockSpec((BR, D), _rows),
                  pl.BlockSpec((NC, BR, 16), _rows3),
                  pl.BlockSpec((D, D), _full),
                  pl.BlockSpec((D,), _full1),
                  pl.BlockSpec((D, D), _full),
                  pl.BlockSpec((D, D), _full)],
        out_specs=[pl.BlockSpec((BR, D), _rows)] * 2,
        out_shape=[jax.ShapeDtypeStruct((N, D), jnp.float32)] * 2,
    )(x, cnt, We, be, Wa, Wb)


@functools.partial(jax.jit, static_argnames=("has_next",))
def _tc_layer(za, zb, tsa, tsb, cnt, ba, bb, Wna, Wnb, Wws2, Wws1, bws1,
              *, has_next):
    def body(za_ref, zb_ref, tsa_ref, tsb_ref, cnt_ref, ba_ref, bb_ref,
             wna_ref, wnb_ref, wws2_ref, wws1_ref, bws1_ref, *out_refs):
        if has_next:
            x_ref, tna_ref, tnb_ref, ts_ref, sa_ref = out_refs
        else:
            x_ref, ts_ref, sa_ref = out_refs
        dinv = _dinv_of(cnt_ref)
        conv_a = dinv * (za_ref[0] + za_ref[1] + tsa_ref[...]) + ba_ref[...]
        conv_b = dinv * (zb_ref[0] + zb_ref[1] + tsb_ref[...]) + bb_ref[...]
        xi = jax.nn.relu(conv_a) + jax.nn.relu(conv_b)
        x_ref[...] = xi
        if has_next:
            tna_ref[...] = dinv * jnp.dot(xi, wna_ref[...])
            tnb_ref[...] = dinv * jnp.dot(xi, wnb_ref[...])
        ts_ref[...] = dinv * jnp.dot(xi, wws2_ref[...])
        sa_ref[...] = jnp.dot(xi, wws1_ref[...]) + bws1_ref[...]

    n_out = 5 if has_next else 3
    shapes = [jax.ShapeDtypeStruct((N, D), jnp.float32)] * (3 if has_next else 1) \
        + [jax.ShapeDtypeStruct((N, 1), jnp.float32)] * 2
    specs = [pl.BlockSpec((BR, D), _rows)] * (3 if has_next else 1) \
        + [pl.BlockSpec((BR, 1), _rows)] * 2
    assert len(shapes) == n_out
    return pl.pallas_call(
        body, grid=(GN,),
        in_specs=[pl.BlockSpec((NC, BR, D), _rows3),
                  pl.BlockSpec((NC, BR, D), _rows3),
                  pl.BlockSpec((BR, D), _rows),
                  pl.BlockSpec((BR, D), _rows),
                  pl.BlockSpec((NC, BR, 16), _rows3),
                  pl.BlockSpec((D,), _full1),
                  pl.BlockSpec((D,), _full1),
                  pl.BlockSpec((D, D), _full),
                  pl.BlockSpec((D, D), _full),
                  pl.BlockSpec((D, 1), _full),
                  pl.BlockSpec((D, 1), _full),
                  pl.BlockSpec((1,), _full1)],
        out_specs=specs,
        out_shape=shapes,
    )(za, zb, tsa, tsb, cnt, ba, bb, Wna, Wnb, Wws2, Wws1, bws1)


@jax.jit
def _tc_combine(x1, x2, x3, sa1, sa2, sa3, ts1, ts2, ts3, zt1, zt2, zt3,
                cnt, bws2, Wk, Wv, Wps2, Wps1, bps1):
    def body(x1_ref, x2_ref, x3_ref, sa1_ref, sa2_ref, sa3_ref,
             ts1_ref, ts2_ref, ts3_ref, zt1_ref, zt2_ref, zt3_ref,
             cnt_ref, bws2_ref, wk_ref, wv_ref, wps2_ref, wps1_ref, bps1_ref,
             xm_ref, tk_ref, tv_ref, tps_ref, sap_ref):
        dinv = _dinv_of(cnt_ref)

        def wcol(sa_ref, ts_ref, zt_ref):
            convn = dinv * (zt_ref[0][:, 0:1] + zt_ref[1][:, 0:1]
                            + ts_ref[...]) + bws2_ref[...]
            return ALPHA * sa_ref[...] + (1 - ALPHA) * convn

        wcat = jnp.concatenate(
            [wcol(sa1_ref, ts1_ref, zt1_ref),
             wcol(sa2_ref, ts2_ref, zt2_ref),
             wcol(sa3_ref, ts3_ref, zt3_ref)], axis=1)
        wsm = jax.nn.softmax(wcat, axis=-1)
        xm = (wsm[:, 0:1] * x1_ref[...] + wsm[:, 1:2] * x2_ref[...]
              + wsm[:, 2:3] * x3_ref[...])
        xm_ref[...] = xm
        tk_ref[...] = dinv * jnp.dot(xm, wk_ref[...])
        tv_ref[...] = dinv * jnp.dot(xm, wv_ref[...])
        tps_ref[...] = dinv * jnp.dot(xm, wps2_ref[...])
        sap_ref[...] = jnp.dot(xm, wps1_ref[...]) + bps1_ref[...]

    return pl.pallas_call(
        body, grid=(GN,),
        in_specs=[pl.BlockSpec((BR, D), _rows)] * 3
        + [pl.BlockSpec((BR, 1), _rows)] * 6
        + [pl.BlockSpec((NC, BR, 16), _rows3)] * 4
        + [pl.BlockSpec((1,), _full1),
           pl.BlockSpec((D, D), _full), pl.BlockSpec((D, D), _full),
           pl.BlockSpec((D, 1), _full), pl.BlockSpec((D, 1), _full),
           pl.BlockSpec((1,), _full1)],
        out_specs=[pl.BlockSpec((BR, D), _rows)] * 3
        + [pl.BlockSpec((BR, 1), _rows)] * 2,
        out_shape=[jax.ShapeDtypeStruct((N, D), jnp.float32)] * 3
        + [jax.ShapeDtypeStruct((N, 1), jnp.float32)] * 2,
    )(x1, x2, x3, sa1, sa2, sa3, ts1, ts2, ts3, zt1, zt2, zt3,
      cnt, bws2, Wk, Wv, Wps2, Wps1, bps1)


@jax.jit
def _tc_pool(zk, zv, zp, tk, tv, tps, sap, cnt, bk, bv, bps2):
    def body(zk_ref, zv_ref, zp_ref, tk_ref, tv_ref, tps_ref, sap_ref,
             cnt_ref, bk_ref, bv_ref, bps2_ref, kv_ref, s_ref):
        dinv = _dinv_of(cnt_ref)
        kv_ref[:, 0:D] = dinv * (zk_ref[0] + zk_ref[1] + tk_ref[...]) \
            + bk_ref[...]
        kv_ref[:, D:2 * D] = dinv * (zv_ref[0] + zv_ref[1] + tv_ref[...]) \
            + bv_ref[...]
        convp = dinv * (zp_ref[0][:, 0:1] + zp_ref[1][:, 0:1]
                        + tps_ref[...]) + bps2_ref[...]
        s_ref[...] = ALPHA * sap_ref[...] + (1 - ALPHA) * convp

    return pl.pallas_call(
        body, grid=(GN,),
        in_specs=[pl.BlockSpec((NC, BR, D), _rows3)] * 2
        + [pl.BlockSpec((NC, BR, 16), _rows3)]
        + [pl.BlockSpec((BR, D), _rows)] * 2
        + [pl.BlockSpec((BR, 1), _rows)] * 2
        + [pl.BlockSpec((NC, BR, 16), _rows3)]
        + [pl.BlockSpec((D,), _full1)] * 2
        + [pl.BlockSpec((1,), _full1)],
        out_specs=[pl.BlockSpec((BR, 2 * D), _rows),
                   pl.BlockSpec((BR, 1), _rows)],
        out_shape=[jax.ShapeDtypeStruct((N, 2 * D), jnp.float32),
                   jax.ShapeDtypeStruct((N, 1), jnp.float32)],
    )(zk, zv, zp, tk, tv, tps, sap, cnt, bk, bv, bps2)


@jax.jit
def _tc_batchpos(cnt):
    def body(cnt_ref, didx_ref, mask_ref):
        counts = (cnt_ref[0][0:G, 0:1] + cnt_ref[1][0:G, 0:1])
        row = lax.broadcasted_iota(jnp.int32, (G, G), 0)
        col = lax.broadcasted_iota(jnp.int32, (G, G), 1)
        tri = (col < row).astype(jnp.float32)
        starts = jax.lax.dot_general(
            tri, counts, (((1,), (0,)), ((), ())),
            precision=jax.lax.Precision.HIGHEST)
        midx = lax.broadcasted_iota(jnp.int32, (G, M), 1)
        didx = jnp.clip(starts.astype(jnp.int32) + midx, 0, N - 1)
        didx_ref[...] = didx
        mask_ref[...] = (midx < counts.astype(jnp.int32)).astype(jnp.float32)

    return pl.pallas_call(
        body, grid=(1,),
        in_specs=[pl.BlockSpec((NC, 200, 16),
                               lambda i: (0, CNT_BASE // 200, 0))],
        out_specs=[pl.BlockSpec((G, M), _rows)] * 2,
        out_shape=[jax.ShapeDtypeStruct((G, M), jnp.int32),
                   jax.ShapeDtypeStruct((G, M), jnp.float32)],
    )(cnt)


@jax.jit
def _tc_topk(sd, maskf, didx):
    def body(sd_ref, mask_ref, didx_ref, vals_ref, sel_ref):
        occ = mask_ref[...] > 0.0
        cur = jnp.where(occ, sd_ref[...], -1e30)
        di = jnp.where(occ, didx_ref[...], 0)
        iot = lax.broadcasted_iota(jnp.int32, (G, M), 1)
        big = jnp.int32(1 << 30)
        for r in range(R):
            mx = jnp.max(cur, axis=1, keepdims=True)
            ismax = cur == mx
            am = jnp.min(jnp.where(ismax, iot, big), axis=1, keepdims=True)
            take = iot == am
            vals_ref[:, r:r + 1] = mx
            sel_ref[:, r:r + 1] = jnp.max(jnp.where(take, di, 0), axis=1,
                                          keepdims=True)
            cur = jnp.where(take, jnp.float32(-3e38), cur)

    return pl.pallas_call(
        body, grid=(1,),
        in_specs=[pl.BlockSpec((G, M), _rows)] * 3,
        out_specs=[pl.BlockSpec((G, R), _rows)] * 2,
        out_shape=[jax.ShapeDtypeStruct((G, R), jnp.float32),
                   jax.ShapeDtypeStruct((G, R), jnp.int32)],
    )(sd, maskf, didx)


@jax.jit
def _tc_attn(xrows, vals, kvd, mask_m1, mask_1m, Wq, bq, Wo, bo,
             wread, bread, Wl1, bl1, Wl2, bl2):
    dh = D // NHEADS

    def body(xr_ref, vals_ref, kvd_ref, mm1_ref, m1m_ref, wq_ref, bq_ref,
             wo_ref, bo_ref, wr_ref, br_ref, wl1_ref, bl1_ref,
             wl2_ref, bl2_ref, logp_ref, gv_ref):
        v = vals_ref[0]
        ok = v > -1e29
        xp = jnp.where(ok, xr_ref[0] * jnp.tanh(v), 0.0)
        Q = jnp.dot(xp, wq_ref[...]) + bq_ref[...]
        mcol = mm1_ref[0]
        occ = m1m_ref[0] > 0.0
        kd = kvd_ref[0][:, 0:D] * mcol
        vd = kvd_ref[0][:, D:2 * D] * mcol
        outs = []
        scale = 1.0 / jnp.sqrt(jnp.float32(D))
        for h in range(NHEADS):
            qh = Q[:, h * dh:(h + 1) * dh]
            kh = kd[:, h * dh:(h + 1) * dh]
            vh = vd[:, h * dh:(h + 1) * dh]
            lg = lax.dot_general(qh, kh,
                                 (((1,), (1,)), ((), ()))) * scale
            lg = jnp.where(occ, lg, -1e30)
            A = jax.nn.softmax(lg, axis=-1)
            outs.append(qh + jnp.dot(A, vh))
        O = jnp.concatenate(outs, axis=1)
        O2 = O + jax.nn.relu(jnp.dot(O, wo_ref[...]) + bo_ref[...])
        gv = jnp.dot(wr_ref[...], O2) + br_ref[...]
        h1 = jax.nn.relu(jnp.dot(gv, wl1_ref[...]) + bl1_ref[...])
        lg2 = jnp.dot(h1, wl2_ref[...]) + bl2_ref[...]
        logp_ref[0] = jax.nn.log_softmax(lg2, axis=-1)
        gv_ref[0] = gv

    g1 = lambda i: (i, 0, 0)
    return pl.pallas_call(
        body, grid=(G,),
        in_specs=[pl.BlockSpec((1, R, D), g1),
                  pl.BlockSpec((1, R, 1), g1),
                  pl.BlockSpec((1, M, 2 * D), g1),
                  pl.BlockSpec((1, M, 1), g1),
                  pl.BlockSpec((1, 1, M), g1),
                  pl.BlockSpec((D, D), _full),
                  pl.BlockSpec((D,), _full1),
                  pl.BlockSpec((D, D), _full),
                  pl.BlockSpec((D,), _full1),
                  pl.BlockSpec((1, R), _full),
                  pl.BlockSpec((1,), _full1),
                  pl.BlockSpec((D, D), _full),
                  pl.BlockSpec((D,), _full1),
                  pl.BlockSpec((D, NCLS), _full),
                  pl.BlockSpec((NCLS,), _full1)],
        out_specs=[pl.BlockSpec((1, 1, NCLS), g1),
                   pl.BlockSpec((1, 1, D), g1)],
        out_shape=[jax.ShapeDtypeStruct((G, 1, NCLS), jnp.float32),
                   jax.ShapeDtypeStruct((G, 1, D), jnp.float32)],
    )(xrows, vals, kvd, mask_m1, mask_1m, Wq, bq, Wo, bo, wread, bread,
      Wl1, bl1, Wl2, bl2)



def kernel(x, edge_index, batch, params):
    p = params
    src, dst = edge_index[0], edge_index[1]

    k_e = _ceil_div(E, NW * CH)
    k_e += k_e % 2
    src3 = _pad_to_tiles(src, 0, k_e)
    dst3 = _pad_to_tiles(dst, DUMP, k_e)

    k_c = _ceil_div(E + N, NW * CH)
    cnt_dst = jnp.concatenate(
        [dst.astype(jnp.int32), batch.astype(jnp.int32) + CNT_BASE])
    cnt3 = _pad_to_tiles(cnt_dst, DUMP_CNT, k_c)
    ones16 = jnp.ones((CH, 16), jnp.float32)
    zeros16 = jnp.zeros((NPAD // NS, 16), jnp.float32)
    cnt = _sc_counts(cnt3, ones16, zeros16, k=k_c)

    zeros128 = jnp.zeros((NPAD // NS, D), jnp.float32)

    def prop(t):
        return _sc_prop(t, src3, dst3, zeros128, d=D, k=k_e, ch=CH)

    def propn(tcol):
        return _sc_prop_narrow(tcol[:, 0], src3, dst3, zeros16, k=k_e)

    ta, tb = _tc_prep(x, cnt, p["W_enc"], p["b_enc"],
                      p["W_g1_0"], p["W_g1_1"])
    x1, ta2, tb2, ts1, sa1 = _tc_layer(
        prop(ta), prop(tb), ta, tb, cnt, p["b_g1_0"], p["b_g1_1"],
        p["W_g2_0"], p["W_g2_1"], p["W_ws2"], p["W_ws1"], p["b_ws1"],
        has_next=True)
    zt1 = propn(ts1)
    x2, ta3, tb3, ts2, sa2 = _tc_layer(
        prop(ta2), prop(tb2), ta2, tb2, cnt, p["b_g2_0"], p["b_g2_1"],
        p["W_g3_0"], p["W_g3_1"], p["W_ws2"], p["W_ws1"], p["b_ws1"],
        has_next=True)
    zt2 = propn(ts2)
    x3, ts3, sa3 = _tc_layer(
        prop(ta3), prop(tb3), ta3, tb3, cnt, p["b_g3_0"], p["b_g3_1"],
        p["W_g3_0"], p["W_g3_1"], p["W_ws2"], p["W_ws1"], p["b_ws1"],
        has_next=False)
    zt3 = propn(ts3)

    xm, tk, tv, tps, sap = _tc_combine(
        x1, x2, x3, sa1, sa2, sa3, ts1, ts2, ts3, zt1, zt2, zt3,
        cnt, p["b_ws2"], p["W_k"], p["W_v"], p["W_ps2"], p["W_ps1"],
        p["b_ps1"])
    kv, s_col = _tc_pool(prop(tk), prop(tv), propn(tps), tk, tv, tps, sap,
                         cnt, p["b_k"], p["b_v"], p["b_ps2"])

    didx, maskf = _tc_batchpos(cnt)
    k_g = _ceil_div(G * M, NW * CH)
    gidx3 = _pad_to_tiles(didx.reshape(-1), 0, k_g)
    kvd = _sc_gather(kv, gidx3, d=2 * D, k=k_g)[:G * M].reshape(G, M, 2 * D)
    sd = _sc_gather_narrow(s_col[:, 0], gidx3, k=k_g)[:G * M].reshape(G, M)

    vals, sel = _tc_topk(sd, maskf, didx)

    k_x = _ceil_div(G * R, NW * CH)
    sidx3 = _pad_to_tiles(sel.reshape(-1), 0, k_x)
    xrows = _sc_gather(xm, sidx3, d=D, k=k_x)[:G * R].reshape(G, R, D)
    logp3, gv3 = _tc_attn(
        xrows, vals.reshape(G, R, 1), kvd,
        maskf.reshape(G, M, 1), maskf.reshape(G, 1, M),
        p["W_q"], p["b_q"], p["W_o"], p["b_o"],
        p["w_read"].reshape(1, R), p["b_read"],
        p["W_l1"], p["b_l1"], p["W_l2"], p["b_l2"])
    return logp3.reshape(G, NCLS), gv3.reshape(G, D)

# --- scband reference (transcript-rebuilt; emitter-appended) ---
"""Pipeline reference for scband-net-60078002536518 (READ-ONLY COPY).

The authoritative reference and input builder live on the scoring server;
editing this copy changes nothing except your own understanding.
"""

import jax, jax.numpy as jnp
import numpy as np

N_NODES = 10000
N_EDGES = 320000
NUM_GRAPHS = 100
NHID = 128
NUM_FEATURES = 128
NUM_HEADS = 4
ALPHA = 0.5
RATIO = 25
NUM_CLASSES = 10
MAX_NODES = 160


def _glorot(k, shape):
    return jax.random.normal(k, shape, jnp.float32) / jnp.sqrt(jnp.float32(shape[0]))


def _make_params(key):
    names = [
        ("W_enc", (NUM_FEATURES, NHID)), ("b_enc", (NHID,)),
        ("W_g1_0", (NHID, NHID)), ("b_g1_0", (NHID,)), ("W_g1_1", (NHID, NHID)), ("b_g1_1", (NHID,)),
        ("W_g2_0", (NHID, NHID)), ("b_g2_0", (NHID,)), ("W_g2_1", (NHID, NHID)), ("b_g2_1", (NHID,)),
        ("W_g3_0", (NHID, NHID)), ("b_g3_0", (NHID,)), ("W_g3_1", (NHID, NHID)), ("b_g3_1", (NHID,)),
        ("W_ws1", (NHID, 1)), ("b_ws1", (1,)), ("W_ws2", (NHID, 1)), ("b_ws2", (1,)),
        ("W_ps1", (NHID, 1)), ("b_ps1", (1,)), ("W_ps2", (NHID, 1)), ("b_ps2", (1,)),
        ("W_q", (NHID, NHID)), ("b_q", (NHID,)), ("W_k", (NHID, NHID)), ("b_k", (NHID,)),
        ("W_v", (NHID, NHID)), ("b_v", (NHID,)), ("W_o", (NHID, NHID)), ("b_o", (NHID,)),
        ("w_read", (RATIO,)), ("b_read", (1,)),
        ("W_l1", (NHID, NHID)), ("b_l1", (NHID,)), ("W_l2", (NHID, NUM_CLASSES)), ("b_l2", (NUM_CLASSES,)),
    ]
    keys = jax.random.split(key, len(names))
    p = {}
    for (nm, shp), k in zip(names, keys):
        if nm.startswith("b_"):
            p[nm] = jnp.zeros(shp, jnp.float32)
        else:
            p[nm] = _glorot(k, shp)
    return p


def setup_inputs(seed: int = 0):
    key = jax.random.key(seed)
    k1, k2, k3, k4 = jax.random.split(key, 4)
    x = jax.random.normal(k1, (N_NODES, NUM_FEATURES), jnp.float32)
    edge_index = jax.random.randint(k2, (2, N_EDGES), 0, N_NODES)
    batch = jnp.sort(jax.random.randint(k3, (N_NODES,), 0, NUM_GRAPHS))
    params = _make_params(k4)
    return {"x": x, "edge_index": edge_index, "batch": batch, "params": params}


def _gcn_conv(h_in, src, dst, W, b, n):
    h = h_in @ W
    loops = jnp.arange(n)
    s = jnp.concatenate([src, loops])
    d = jnp.concatenate([dst, loops])
    deg = jax.ops.segment_sum(jnp.ones_like(d, dtype=h.dtype), d, n)
    dinv = jax.lax.rsqrt(jnp.maximum(deg, 1e-12))
    msg = h[s] * (dinv[s] * dinv[d])[:, None]
    return jax.ops.segment_sum(msg, d, n) + b


def _batch_pos(batch, n):
    counts = jnp.bincount(batch, length=NUM_GRAPHS)
    starts = jnp.concatenate([jnp.zeros((1,), counts.dtype), jnp.cumsum(counts)[:-1]])
    pos = jnp.arange(n) - starts[batch]
    valid = pos < MAX_NODES
    return jnp.clip(pos, 0, MAX_NODES - 1), valid


def _to_dense_batch(xf, batch, pos_c, valid):
    d = xf.shape[1]
    dense = jnp.zeros((NUM_GRAPHS, MAX_NODES, d), xf.dtype).at[batch, pos_c].add(jnp.where(valid[:, None], xf, 0.0))
    mask = jnp.zeros((NUM_GRAPHS, MAX_NODES), jnp.int32).at[batch, pos_c].add(valid.astype(jnp.int32)) > 0
    return dense, mask


def _gla_topk(xm, score, batch, pos_c, valid):
    n = xm.shape[0]
    dense_s = jnp.full((NUM_GRAPHS, MAX_NODES), -1e30, jnp.float32).at[batch, pos_c].max(jnp.where(valid, score, -1e30))
    dense_i = jnp.zeros((NUM_GRAPHS, MAX_NODES), jnp.int32).at[batch, pos_c].max(jnp.where(valid, jnp.arange(n, dtype=jnp.int32), 0))
    vals, argp = jax.lax.top_k(dense_s, RATIO)
    sel = jnp.take_along_axis(dense_i, argp, axis=1)
    ok = vals > -1e29
    xp = xm[sel] * jnp.tanh(vals)[:, :, None]
    return jnp.where(ok[:, :, None], xp, 0.0)


def _mab(Qd, xm, src, dst, batch, pos_c, valid, p, n):
    Q = Qd @ p["W_q"] + p["b_q"]
    K = _gcn_conv(xm, src, dst, p["W_k"], p["b_k"], n)
    V = _gcn_conv(xm, src, dst, p["W_v"], p["b_v"], n)
    Kd, mask = _to_dense_batch(K, batch, pos_c, valid)
    Vd, _ = _to_dense_batch(V, batch, pos_c, valid)
    G, R, D = Q.shape
    M = MAX_NODES
    H = NUM_HEADS
    dh = D // H
    Qh = Q.reshape(G, R, H, dh).transpose(0, 2, 1, 3)
    Kh = Kd.reshape(G, M, H, dh).transpose(0, 2, 1, 3)
    Vh = Vd.reshape(G, M, H, dh).transpose(0, 2, 1, 3)
    logits = jnp.einsum("ghrd,ghmd->ghrm", Qh, Kh) / jnp.sqrt(jnp.float32(D))
    logits = jnp.where(mask[:, None, None, :], logits, -1e30)
    A = jax.nn.softmax(logits, axis=-1)
    O = Qh + jnp.einsum("ghrm,ghmd->ghrd", A, Vh)
    O = O.transpose(0, 2, 1, 3).reshape(G, R, D)
    return O + jax.nn.relu(O @ p["W_o"] + p["b_o"])


def _forward(x, edge_index, batch, p):
    n = x.shape[0]
    src, dst = edge_index[0], edge_index[1]
    h = x @ p["W_enc"] + p["b_enc"]

    def mkgc(hi, Wa, ba, Wb, bb):
        return jax.nn.relu(_gcn_conv(hi, src, dst, Wa, ba, n)) + jax.nn.relu(_gcn_conv(hi, src, dst, Wb, bb, n))

    x1 = mkgc(h, p["W_g1_0"], p["b_g1_0"], p["W_g1_1"], p["b_g1_1"])
    x2 = mkgc(x1, p["W_g2_0"], p["b_g2_0"], p["W_g2_1"], p["b_g2_1"])
    x3 = mkgc(x2, p["W_g3_0"], p["b_g3_0"], p["W_g3_1"], p["b_g3_1"])

    def gla_score(xi, W1, b1, W2, b2):
        return ALPHA * (xi @ W1 + b1) + (1.0 - ALPHA) * _gcn_conv(xi, src, dst, W2, b2, n)

    w = jnp.concatenate([gla_score(xi, p["W_ws1"], p["b_ws1"], p["W_ws2"], p["b_ws2"]) for xi in (x1, x2, x3)], axis=-1)
    w = jax.nn.softmax(w, axis=-1)
    xm = w[:, 0:1] * x1 + w[:, 1:2] * x2 + w[:, 2:3] * x3
    pos_c, valid = _batch_pos(batch, n)
    s = gla_score(xm, p["W_ps1"], p["b_ps1"], p["W_ps2"], p["b_ps2"])[:, 0]
    xp = _gla_topk(xm, s, batch, pos_c, valid)
    O = _mab(xp, xm, src, dst, batch, pos_c, valid, p, n)
    g = jnp.einsum("r,grd->gd", p["w_read"], O) + p["b_read"]
    h1 = jax.nn.relu(g @ p["W_l1"] + p["b_l1"])
    logp = jax.nn.log_softmax(h1 @ p["W_l2"] + p["b_l2"], axis=-1)
    return logp, g


def reference(x, edge_index, batch, params):
    return _forward(x, edge_index, batch, params)

if __name__ == "__main__":
    import jax
    _d = setup_inputs()
    print(jax.jit(kernel)(*tuple(_d.values())))

</pallas_src>

<mosaic_0001>
#map = affine_map<(d0, d1) -> (0, 0, 0)>
#map1 = affine_map<(d0, d1) -> (0, 0)>
module attributes {stable_mosaic.version = 14 : i64} {
  func.func @kfn(%arg0: i32, %arg1: i32, %arg2: memref<32x81x128xi32, #tpu.memory_space<hbm>>, %arg3: memref<128x16xf32, #tpu.memory_space<hbm>>, %arg4: memref<640x16xf32, #tpu.memory_space<hbm>>, %arg5: memref<2x10240x16xf32, #tpu.memory_space<hbm>>, %arg6: memref<81x128xi32, #tpu.memory_space<vmem>>, %arg7: memref<128x16xf32, #tpu.memory_space<vmem>>, %arg8: memref<10240x16xf32, #tpu.memory_space<vmem_shared>>) attributes {dimension_semantics = [#tpu.dimension_semantics<core_parallel>, #tpu.dimension_semantics<subcore_parallel>], iteration_bounds = array<i64: 2, 16>, scalar_prefetch = 0 : i64, scratch_operands = 3 : i64, tpu.core_type = #tpu.core_type<sc_vector_subcore>, window_params = [{transform_indices = #map}, {transform_indices = #map1}, {transform_indices = #map1}, {transform_indices = #map}]} {
    %mul3A = arith.constant 16 : i32
    %mul3A_0 = arith.muli %arg0, %mul3A : i32
    %add3A = arith.addi %mul3A_0, %arg1 : i32
    %mul3A_1 = arith.constant 640 : i32
    %mul3A_2 = arith.muli %arg1, %mul3A_1 : i32
    "tpu.region"() ({
      %run_scoped3A = tpu.sem_alloc : memref<!tpu.dma_semaphore, #tpu.memory_space<semaphore_mem>>
      %dma_start3A = arith.constant 0 : i32
      %dma_start3A_13 = tpu.memref_slice %arg8[%mul3A_2, %dma_start3A] : memref<10240x16xf32, #tpu.memory_space<vmem_shared>> -> memref<640x16xf32, #tpu.memory_space<vmem_shared>>
      tpu.enqueue_dma source(%arg4 : memref<640x16xf32, #tpu.memory_space<hbm>>) target(%dma_start3A_13 : memref<640x16xf32, #tpu.memory_space<vmem_shared>>) target_semaphore(%run_scoped3A : memref<!tpu.dma_semaphore, #tpu.memory_space<semaphore_mem>>)
      %dma_wait3A = arith.constant 0 : i32
      %dma_wait3A_14 = tpu.memref_slice %arg8[%mul3A_2, %dma_wait3A] : memref<10240x16xf32, #tpu.memory_space<vmem_shared>> -> memref<640x16xf32, #tpu.memory_space<vmem_shared>>
      tpu.wait_dma2 semaphore(%run_scoped3A : memref<!tpu.dma_semaphore, #tpu.memory_space<semaphore_mem>>) src(%arg4 : memref<640x16xf32, #tpu.memory_space<hbm>>) dst(%dma_wait3A_14 : memref<640x16xf32, #tpu.memory_space<vmem_shared>>)
      tpu.yield
    }) : () -> ()
    "tpu.region"() ({
      %run_scoped3A = tpu.sem_alloc : memref<!tpu.dma_semaphore, #tpu.memory_space<semaphore_mem>>
      %dma_start3A = arith.constant 0 : i32
      %dma_start3A_13 = arith.constant 0 : i32
      %dma_start3A_14 = tpu.memref_slice %arg2[%add3A, %dma_start3A, %dma_start3A_13] : memref<32x81x128xi32, #tpu.memory_space<hbm>> -> memref<1x81x128xi32, #tpu.memory_space<hbm>>
      %dma_start3A_15 = tpu.memref_squeeze %dma_start3A_14 : memref<1x81x128xi32, #tpu.memory_space<hbm>> -> memref<81x128xi32, #tpu.memory_space<hbm>>
      %dma_start3A_16 = arith.constant 0 : i32
      %dma_start3A_17 = arith.constant 0 : i32
      %dma_start3A_18 = tpu.memref_slice %arg2[%add3A, %dma_start3A_16, %dma_start3A_17] : memref<32x81x128xi32, #tpu.memory_space<hbm>> -> memref<1x81x128xi32, #tpu.memory_space<hbm>>
      %dma_start3A_19 = tpu.memref_squeeze %dma_start3A_18 : memref<1x81x128xi32, #tpu.memory_space<hbm>> -> memref<81x128xi32, #tpu.memory_space<hbm>>
      tpu.enqueue_dma source(%dma_start3A_19 : memref<81x128xi32, #tpu.memory_space<hbm>>) target(%arg6 : memref<81x128xi32, #tpu.memory_space<vmem>>) target_semaphore(%run_scoped3A : memref<!tpu.dma_semaphore, #tpu.memory_space<semaphore_mem>>)
      %dma_wait3A = arith.constant 0 : i32
      %dma_wait3A_20 = arith.constant 0 : i32
      %dma_wait3A_21 = tpu.memref_slice %arg2[%add3A, %dma_wait3A, %dma_wait3A_20] : memref<32x81x128xi32, #tpu.memory_space<hbm>> -> memref<1x81x128xi32, #tpu.memory_space<hbm>>
      %dma_wait3A_22 = tpu.memref_squeeze %dma_wait3A_21 : memref<1x81x128xi32, #tpu.memory_space<hbm>> -> memref<81x128xi32, #tpu.memory_space<hbm>>
      %dma_wait3A_23 = arith.constant 0 : i32
      %dma_wait3A_24 = arith.constant 0 : i32
      %dma_wait3A_25 = tpu.memref_slice %arg2[%add3A, %dma_wait3A_23, %dma_wait3A_24] : memref<32x81x128xi32, #tpu.memory_space<hbm>> -> memref<1x81x128xi32, #tpu.memory_space<hbm>>
      %dma_wait3A_26 = tpu.memref_squeeze %dma_wait3A_25 : memref<1x81x128xi32, #tpu.memory_space<hbm>> -> memref<81x128xi32, #tpu.memory_space<hbm>>
      tpu.wait_dma2 semaphore(%run_scoped3A : memref<!tpu.dma_semaphore, #tpu.memory_space<semaphore_mem>>) src(%dma_wait3A_26 : memref<81x128xi32, #tpu.memory_space<hbm>>) dst(%arg6 : memref<81x128xi32, #tpu.memory_space<vmem>>)
      tpu.yield
    }) : () -> ()
    "tpu.region"() ({
      %run_scoped3A = tpu.sem_alloc : memref<!tpu.dma_semaphore, #tpu.memory_space<semaphore_mem>>
      tpu.enqueue_dma source(%arg3 : memref<128x16xf32, #tpu.memory_space<hbm>>) target(%arg7 : memref<128x16xf32, #tpu.memory_space<vmem>>) target_semaphore(%run_scoped3A : memref<!tpu.dma_semaphore, #tpu.memory_space<semaphore_mem>>)
      tpu.wait_dma2 semaphore(%run_scoped3A : memref<!tpu.dma_semaphore, #tpu.memory_space<semaphore_mem>>) src(%arg3 : memref<128x16xf32, #tpu.memory_space<hbm>>) dst(%arg7 : memref<128x16xf32, #tpu.memory_space<vmem>>)
      tpu.yield
    }) : () -> ()
    %barrier3A = arith.constant 0 : index
    tpu.barrier barrier_id(%barrier3A)
    %scan3A = arith.constant 0 : i32
    %scan3A_3 = arith.constant 0 : i32
    %scan3A_4 = arith.constant 81 : i32
    %scan3A_5 = arith.addi %scan3A_3, %scan3A_4 : i32
    %scan3A_6 = arith.constant 1 : i32
    scf.for %scan3A_13 = %scan3A_3 to %scan3A_5 step %scan3A_6  : i32 {
      "tpu.region"() ({
        %run_scoped3A = tpu.sem_alloc : memref<!tpu.dma_semaphore, #tpu.memory_space<semaphore_mem>>
        %dma_start3A = arith.constant 0 : i32
        %dma_start3A_14 = tpu.memref_slice %arg6[%scan3A_13, %dma_start3A] : memref<81x128xi32, #tpu.memory_space<vmem>> -> memref<1x128xi32, #tpu.memory_space<vmem>>
        %dma_start3A_15 = tpu.memref_squeeze %dma_start3A_14 : memref<1x128xi32, #tpu.memory_space<vmem>> -> memref<128xi32, #tpu.memory_space<vmem>>
        %dma_start3A_16 = arith.constant 0 : i32
        %dma_start3A_17 = arith.constant 0 : i32
        %dma_start3A_18 = tpu.memref_slice %arg8[%dma_start3A_16, %dma_start3A_17] : memref<10240x16xf32, #tpu.memory_space<vmem_shared>> -> memref<10240x16xf32, #tpu.memory_space<vmem_shared>>
        tpu.enqueue_indirect_dma source(%arg7 : memref<128x16xf32, #tpu.memory_space<vmem>>) target(%dma_start3A_18 : memref<10240x16xf32, #tpu.memory_space<vmem_shared>>) offsets(%dma_start3A_15 : memref<128xi32, #tpu.memory_space<vmem>>) semaphore(%run_scoped3A : memref<!tpu.dma_semaphore, #tpu.memory_space<semaphore_mem>>) {add = true}
        %dma_wait3A = arith.constant 0 : i32
        %dma_wait3A_19 = tpu.memref_slice %arg6[%scan3A_13, %dma_wait3A] : memref<81x128xi32, #tpu.memory_space<vmem>> -> memref<1x128xi32, #tpu.memory_space<vmem>>
        %dma_wait3A_20 = tpu.memref_squeeze %dma_wait3A_19 : memref<1x128xi32, #tpu.memory_space<vmem>> -> memref<128xi32, #tpu.memory_space<vmem>>
        %dma_wait3A_21 = arith.constant 0 : i32
        %dma_wait3A_22 = arith.constant 0 : i32
        %dma_wait3A_23 = tpu.memref_slice %arg8[%dma_wait3A_21, %dma_wait3A_22] : memref<10240x16xf32, #tpu.memory_space<vmem_shared>> -> memref<10240x16xf32, #tpu.memory_space<vmem_shared>>
        tpu.wait_indirect_dma semaphore(%run_scoped3A : memref<!tpu.dma_semaphore, #tpu.memory_space<semaphore_mem>>) src(%arg7 : memref<128x16xf32, #tpu.memory_space<vmem>>) dst(%dma_wait3A_23 : memref<10240x16xf32, #tpu.memory_space<vmem_shared>>)
        tpu.yield
      }) : () -> ()
    }
    %scan3A_7 = arith.constant 81 : i32
    %barrier3A_8 = arith.constant 0 : index
    tpu.barrier barrier_id(%barrier3A_8)
    %mul3A_9 = arith.constant 640 : i32
    %mul3A_10 = arith.muli %arg1, %mul3A_9 : i32
    %mul3A_11 = arith.constant 640 : i32
    %mul3A_12 = arith.muli %arg1, %mul3A_11 : i32
    "tpu.region"() ({
      %run_scoped3A = tpu.sem_alloc : memref<!tpu.dma_semaphore, #tpu.memory_space<semaphore_mem>>
      %dma_start3A = arith.constant 0 : i32
      %dma_start3A_13 = tpu.memref_slice %arg5[%arg0, %mul3A_12, %dma_start3A] : memref<2x10240x16xf32, #tpu.memory_space<hbm>> -> memref<1x640x16xf32, #tpu.memory_space<hbm>>
      %dma_start3A_14 = tpu.memref_squeeze %dma_start3A_13 : memref<1x640x16xf32, #tpu.memory_space<hbm>> -> memref<640x16xf32, #tpu.memory_space<hbm>>
      %dma_start3A_15 = arith.constant 0 : i32
      %dma_start3A_16 = tpu.memref_slice %arg8[%mul3A_10, %dma_start3A_15] : memref<10240x16xf32, #tpu.memory_space<vmem_shared>> -> memref<640x16xf32, #tpu.memory_space<vmem_shared>>
      tpu.enqueue_dma source(%dma_start3A_16 : memref<640x16xf32, #tpu.memory_space<vmem_shared>>) target(%dma_start3A_14 : memref<640x16xf32, #tpu.memory_space<hbm>>) target_semaphore(%run_scoped3A : memref<!tpu.dma_semaphore, #tpu.memory_space<semaphore_mem>>)
      %dma_wait3A = arith.constant 0 : i32
      %dma_wait3A_17 = tpu.memref_slice %arg5[%arg0, %mul3A_12, %dma_wait3A] : memref<2x10240x16xf32, #tpu.memory_space<hbm>> -> memref<1x640x16xf32, #tpu.memory_space<hbm>>
      %dma_wait3A_18 = tpu.memref_squeeze %dma_wait3A_17 : memref<1x640x16xf32, #tpu.memory_space<hbm>> -> memref<640x16xf32, #tpu.memory_space<hbm>>
      %dma_wait3A_19 = arith.constant 0 : i32
      %dma_wait3A_20 = tpu.memref_slice %arg8[%mul3A_10, %dma_wait3A_19] : memref<10240x16xf32, #tpu.memory_space<vmem_shared>> -> memref<640x16xf32, #tpu.memory_space<vmem_shared>>
      tpu.wait_dma2 semaphore(%run_scoped3A : memref<!tpu.dma_semaphore, #tpu.memory_space<semaphore_mem>>) src(%dma_wait3A_20 : memref<640x16xf32, #tpu.memory_space<vmem_shared>>) dst(%dma_wait3A_18 : memref<640x16xf32, #tpu.memory_space<hbm>>)
      tpu.yield
    }) : () -> ()
    return
  }
}

</mosaic_0001>

<sc_bundles>
// kernel: _sc_counts.3.cloned.1.call-start
scs
__scs_entry_jumppad:
0x0: {  	(pc) =	sbr.rel $0x88, $3  }
0x1: {  	(tag) =	ssettag $0x0;
	lr =	simm.s32 $0x1  }
0x2: {  	[smem:$0x3F9E] =	sst lr;
	_ =	strace $0xD0000000  }
0x3: {  	_ = 	snop  }
0x4: {  	_ = 	snop  }
0x5: {  	_ = 	snop  }
0x6: {  	_ = 	snop  }
0x7: {  	_ = 	snop  }
__scs_overlays_trampoline_lowered:
0x8: {  	[smem:$0x3FAD] =	sst s0  }
0x9: {  	[smem:$0x3FAE] =	sst s1  }
0xa: {  	[smem:$0x3FAF] =	sst s2  }
0xb: {  	[smem:$0x3FB0] =	sst s3  }
0xc: {  	[smem:$0x3FB1] =	sst s4  }
0xd: {  	[smem:$0x3FB2] =	sst s5  }
0xe: {  	[smem:$0x3FB3] =	sst s6  }
0xf: {  	[smem:$0x3FB4] =	sst s7  }
0x10: {  	[smem:$0x3FB5] =	sst s8  }
0x11: {  	[smem:$0x3FB6] =	sst s9;
	s0 =	simm.s32 @!p0 $0x0  }
0x12: {  	s1 =	sld [smem:$0x3F9C];
	s0 =	simm.s32 @p0 $0x1  }
0x13: {  	[smem:$0x3FB7] =	sst s0;
	s0 =	simm.s32 @!p1 $0x0  }
0x14: {  	s2 =	sld [smem:$0x3F9B];
	s0 =	simm.s32 @p1 $0x1  }
0x15: {  	[smem:$0x3FB8] =	sst s0;
	s0 =	simm.s32 @!p2 $0x0  }
0x16: {  	s3 =	sld [smem:$0x3FDB];
	s0 =	simm.s32 @p2 $0x1  }
0x17: {  	s4 =	simm.s32 $0x1BF5;
	[smem:$0x3FBA] =	sst s0  }
0x18: {  	s0 =	sld [smem:$0x3F9D];
	_ =	swait.ge [sflag:s4], $0x0  }
0x19: {  	s7 =	sld [smem:$0x3F9E]  }
0x1a: {  	s8 =	sadd.s32 $0xFFFFE003, lr  }
0x1b: {  	s9 =	sadd.s32 $0xFFFFFEF7, lr;
	s5 =	simm.s32 $0xFFFFFFFF;
	p2 =	slt.u32 s8, $0xFFFFF086  }
0x1c: {  	p1 =	slt.u32 s9, $0xF7A;
	s5 =	simm.s32 @!p2 $0x0  }
0x1d: {  	s5 =	simm.s32 @p1 $0x1;
	p0 =	seq.s32 s7, s2  }
0x1e: {  	s7 =	smul.u32 @!p0 $0xF7A, s2;
	p2 =	seq.s32 @!p0 s5, $0x0  }
0x1f: {  	s9 =	smul.u32 $0xF7A, s1;
	s8 =	simm.s32 @!p0 $0x1BF5;
	p2 =	por !p2, p0  }
0x20: {  	[sflag:s8] =	ssyncset.s32 @!p0 $0xFFFFF086;
	s6 =	sadd.s32 @!p0 s3, s7;
	s7 =	simm.s32 @!p0 $0x108  }
0x21: {  	s3 =	sadd.s32 s3, s9;
	s6 =	sadd.s32 @!p0 $0x88, s6;
	s7 =	simm.s32 @p2 $0x1082  }
0x22: {  	[simem:s7], [sflag:s8] =	dma.local @!p0 [hbm:s6], $0xF7A  }
0x23: {  	s9 =	sor.u32 $0xD0000000, s2;
	s6 =	simm.s32 $0x108;
	_ =	swait.ge @!p0 [sflag:s8], $0x0  }
0x24: {  	s3 =	sadd.s32 $0x88, s3;
	s6 =	simm.s32 @!p1 $0x1082;
	[sflag:s4] =	ssyncset.s32 $0xFFFFF086  }
0x25: {  	[simem:s6], [sflag:s4] =	dma.local [hbm:s3], $0xF7A  }
0x26: {  	[smem:$0x3F9E] =	sst s1;
	(tag) =	ssettag s2;
	_ =	strace s9  }
0x27: {  	s1 =	sld [smem:$0x3FAE]  }
0x28: {  	s2 =	sld [smem:$0x3FAF]  }
0x29: {  	s4 =	sld [smem:$0x3FB1]  }
0x2a: {  	p0 =	seq.s32 s5, $0x0;
	s5 =	sld [smem:$0x3FB2]  }
0x2b: {  	s6 =	sld [smem:$0x3FB3]  }
0x2c: {  	s7 =	sld [smem:$0x3FB4]  }
0x2d: {  	s3 =	simm.s32 $0x108;
	s8 =	sld [smem:$0x3FB5]  }
0x2e: {  	s3 =	simm.s32 @!p0 $0x1082;
	s9 =	sld [smem:$0x3FB6]  }
0x2f: {  	lr =	sadd.s32 s0, s3;
	s0 =	sld [smem:$0x3FAD]  }
0x30: {  	s3 =	sld [smem:$0x3FB0]  }
0x31: {  	[smem:$0x3FB9] =	sst s10  }
0x32: {  	s10 =	sld [smem:$0x3FB7];
	_ =	sdelay $0x3  }
0x33: {  	p0 =	seq.s32 s10, $0x1;
	s10 =	sld [smem:$0x3FB9];
	_ =	sdelay $0x3  }
0x34: {  	[smem:$0x3FB9] =	sst s10  }
0x35: {  	s10 =	sld [smem:$0x3FB8];
	_ =	sdelay $0x3  }
0x36: {  	p1 =	seq.s32 s10, $0x1;
	s10 =	sld [smem:$0x3FB9];
	_ =	sdelay $0x3  }
0x37: {  	[smem:$0x3FB9] =	sst s10  }
0x38: {  	s10 =	sld [smem:$0x3FBA]  }
0x39: {  	_ = 	snop;
	(pc) =	sbr.ind lr, $3  }
0x3a: {  	_ = 	snop  }
0x3b: {  	_ = 	snop  }
0x3c: {  	p2 =	seq.s32 s10, $0x1;
	s10 =	sld [smem:$0x3FB9]  }
0x3d: {  	_ =	shalt  }
0x3e: {  	_ =	shalt  }
0x3f: {  	_ =	shalt  }
0x40: {  	_ =	shalt  }
0x41: {  	_ =	shalt  }
0x42: {  	_ =	shalt  }
0x43: {  	_ =	shalt  }
0x44: {  	_ =	shalt  }
0x45: {  	_ =	shalt  }
0x46: {  	_ =	shalt  }
0x47: {  	_ =	shalt  }
0x48: {  	_ =	shalt  }
0x49: {  	_ =	shalt  }
0x4a: {  	_ =	shalt  }
0x4b: {  	_ =	shalt  }
0x4c: {  	_ =	shalt  }
0x4d: {  	_ =	shalt  }
0x4e: {  	_ =	shalt  }
0x4f: {  	_ =	shalt  }
0x50: {  	_ =	shalt  }
0x51: {  	_ =	shalt  }
0x52: {  	_ =	shalt  }
0x53: {  	_ =	shalt  }
0x54: {  	_ =	shalt  }
0x55: {  	_ =	shalt  }
0x56: {  	_ =	shalt  }
0x57: {  	_ =	shalt  }
0x58: {  	_ =	shalt  }
0x59: {  	_ =	shalt  }
0x5a: {  	_ =	shalt  }
0x5b: {  	_ =	shalt  }
0x5c: {  	_ =	shalt  }
0x5d: {  	_ =	shalt  }
0x5e: {  	_ =	shalt  }
0x5f: {  	_ =	shalt  }
0x60: {  	_ =	shalt  }
0x61: {  	_ =	shalt  }
0x62: {  	_ =	shalt  }
0x63: {  	_ =	shalt  }
0x64: {  	_ =	shalt  }
0x65: {  	_ =	shalt  }
0x66: {  	_ =	shalt  }
0x67: {  	_ =	shalt  }
0x68: {  	_ =	shalt  }
0x69: {  	_ =	shalt  }
0x6a: {  	_ =	shalt  }
0x6b: {  	_ =	shalt  }
0x6c: {  	_ =	shalt  }
0x6d: {  	_ =	shalt  }
0x6e: {  	_ =	shalt  }
0x6f: {  	_ =	shalt  }
0x70: {  	_ =	shalt  }
0x71: {  	_ =	shalt  }
0x72: {  	_ =	shalt  }
0x73: {  	_ =	shalt  }
0x74: {  	_ =	shalt  }
0x75: {  	_ =	shalt  }
0x76: {  	_ =	shalt  }
0x77: {  	_ =	shalt  }
0x78: {  	_ =	shalt  }
0x79: {  	_ =	shalt  }
0x7a: {  	_ =	shalt  }
0x7b: {  	_ =	shalt  }
0x7c: {  	_ =	shalt  }
0x7d: {  	_ =	shalt  }
0x7e: {  	_ =	shalt  }
0x7f: {  	_ =	shalt  }
0x80: {  	_ =	shalt  }
0x81: {  	_ =	shalt  }
0x82: {  	_ =	shalt  }
0x83: {  	_ =	shalt  }
0x84: {  	_ =	shalt  }
0x85: {  	_ =	shalt  }
0x86: {  	_ =	shalt  }
0x87: {  	_ =	shalt  }
.Lfunc_end0:
.L_simem_size_0:
called_computation_lowered:
.L_overlay_start_0:
0x88: {  	s2 =	sld [smem:$0x3FD9]  }
0x89: {  	s3 =	sld [smem:$0x3FFE];
	_ =	sdelay $0x1  }
0x8a: {  	s1 =	srdreg.scid  }
0x8b: {  	s0 =	sand.u32 $0x1, s1  }
0x8c: {  	s17 =	sshll.u32 s0, $0xA;
	s2 =	sadd.s32 s3, s2  }
0x8d: {  	s2 =	sadd.s32 s2, s17  }
0x8e: {  	[smem:$0x3FC5] =	sst s2  }
0x8f: {  	_ = 	snop  }
0x90: {  	s2 =	sld [smem:$0x3FD0];
	(tm) =	ssettm $0x1  }
0x91: {  	s18 =	sld [smem:$0x3FFB];
	_ =	sdelay $0x3  }
0x92: {  	_ =	strace s18  }
0x93: {  	s3 =	sld [smem:$0x3FFC];
	_ =	sdelay $0x3  }
0x94: {  	_ =	strace s3  }
0x95: {  	s3 =	sld [smem:$0x3FFD];
	_ =	sdelay $0x3  }
0x96: {  	_ =	strace s3  }
0x97: {  	_ =	strace $0x8FFFFFFF  }
0x98: {  	s19 =	sld [smem:$0x3FDB];
	_ =	sdelay $0x1  }
0x99: {  	s4 =	simm.s32 $_scs_section_size  }
0x9a: {  	s5 =	simm.s32 $_size__tile_overlayer_lowered;
	s6 =	simm.s32 $_tile_overlayer_lowered  }
0x9b: {  	s22 =	simm.s32 $0x1BFF;
	s21 =	sshll.u32 s6, $0x1;
	s3 =	sadd.s32 s4, s19  }
0x9c: {  	s7 =	simm.s32 $0x0;
	s20 =	sshll.u32 s5, $0x1;
	s5 =	sadd.s32 s21, s3  }
0x9d: {  	[timem:s7], [sflag:s22] =	dma.local [hbm:s5], s20  }
0x9e: {  	_ =	swait.ge [sflag:s22], s20  }
0x9f: {  	s4 =	ssub.s32 $0x0, s20;
	[sflag:s22] =	ssyncset.done $0x0  }
0xa0: {  	[sflag:s22] =	ssyncadd.s32 s4;
	_ =	sdelay $0x1  }
0xa1: {  	s23 =	simm.s32 $0x1B8B  }
0xa2: {  	_ =	swait.ge [sflag:s23], $0x1  }
0xa3: {  	[sflag:s23] =	ssyncset.done $0x0  }
0xa4: {  	s25 =	simm.s32 $0x1B8E;
	s24 =	sld [smem:$0x3FFE];
	[sflag:s23] =	ssyncadd.s32 $0xFFFFFFFF  }
0xa5: {  	s26 =	simm.s32 $execute0_lowered;
	[smem:$0x3FD2] =	sst s25  }
0xa6: {  	s5 =	sshll.u32 s26, $0x1;
	_ =	strace $0x80000046;
	[dreg:$0x1] =	wrdreg $0xFFFFFFFF  }
0xa7: {  	s28 =	simm.s32 $_size_execute0_lowered;
	s3 =	sadd.s32 s3, s5;
	[dreg:$0x0] =	wrdreg $0x0  }
0xa8: {  	s5 =	sshll.u32 s28, $0x1;
	[dreg:$0x2] =	wrdreg s3  }
0xa9: {  	[dreg:$0x3] =	wrdreg s5  }
0xaa: {  	[dreg:$0x4] =	wrdreg $0xC0  }
0xab: {  	_ =	task [dreg:s7], $0x5FFFF  }
0xac: {  	[dreg:$0x1] =	wrdreg $0xFFFFFFFF  }
0xad: {  	[dreg:$0x0] =	wrdreg $0x60  }
0xae: {  	[dreg:$0x2] =	wrdreg s24  }
0xaf: {  	[dreg:$0x3] =	wrdreg s2  }
0xb0: {  	[dreg:$0x4] =	wrdreg $0x30800  }
0xb1: {  	[dreg:$0x5] =	wrdreg $0x9  }
0xb2: {  	_ =	task.clear_ibuf [dreg:s7], $0x6FFFF;
	_ =	strace $0x90000046  }
0xb3: {  	s29 =	simm.s32 $0x9;
	_ =	strace $0x80000048  }
0xb4: {  	_ =	swait.ge [sflag:s29], $0x1  }
0xb5: {  	[sflag:s29] =	ssyncadd.s32 $0xFFFFFFFF  }
0xb6: {  	_ =	strace $0x90000048  }
0xb7: {  	_ =	sfence  }
0xb8: {  	s30 =	sld [smem:$0x0];
	_ =	sdelay $0x2  }
0xb9: {  	s31 =	sshll.u32 s1, $0xD;
	s1 =	sshrl.u32 s1, $0x2  }
0xba: {  	s3 =	sand.u32 $0x4000, s31;
	s1 =	sadd.s32 s1, s30  }
0xbb: {  	s0 =	sor.u32 s3, s0;
	s1 =	sshll.u32 s1, $0x11  }
0xbc: {  	s0 =	sor.u32 s1, s0  }
0xbd: {  	s0 =	sadd.s32 $0x8F2B, s0  }
0xbe: {  	[sflag:s0] =	ssyncadd.remote.s32 $0x1  }
0xbf: {  	_ =	sfence.sel $0xFFFF  }
0xc0: {  	[dreg:$0x0] =	wrdreg $0xFFFFFFFF;
	(pc) =	sbr.abs _section_cstart, $3  }
0xc1: {  	[dreg:$0x1] =	wrdreg $0xFFFFFFFF  }
0xc2: {  	_ =	task.clear_ibuf [dreg:s7], $0x2FFFF;
	_ =	strace $0x9FFFFFFF  }
0xc3: {  	(tm) =	ssettm $0x7FFFFFFF  }
tec
execute0_lowered:
.L_overlay_start_1:
0x0: {  	(tag) =	ssettag $0x1  }
0x1: {  	s5 =	rddreg [dreg:$0x0]  }
0x2: {  	s8 =	rddreg [dreg:$0x1]  }
0x3: {  	s0 =	srdreg.scid;
	s2 =	rddreg [dreg:$0x2]  }
0x4: {  	s3 =	simm.s32 $0x0;
	s13 =	simm.s32 $0x80;
	s14 =	simm.s32 $0x0  }
0x5: {  	s4 =	sand.u32 $0x1, s0;
	s0 =	stileid.u32;
	[smem:$0x7FF] =	sst s3  }
0x6: {  	s1 =	sshll.u32 s4, $0x4;
	s7 =	smul.u32 $0x2800, s0;
	s9 =	ssub.s32 $0x2, s4  }
0x7: {  	s10 =	smul.u32 $0x28000, s4;
	s4 =	sadd.s32 $0x400, s5;
	s31 =	sshll.u32 s0, $0x6  }
0x8: {  	s6 =	sor.u32 s0, s1;
	s1 =	rddreg [dreg:$0x3];
	_ =	strace $0x80000047  }
0x9: {  	s28 =	sshrl.u32 s9, $0x1;
	s6 =	smul.u32 $0x510, s6;
	s29 =	sadd.s32 s7, s10  }
0xa: {  	s9 =	ssub.s32 s9, s28;
	s30 =	sadd.s32 s7, s2;
	s12 =	sshrl.u32 s29, $0x3  }
0xb: {  	s9 =	smax.u32 s9, $0x1;
	s10 =	sshrl.u32 s30, $0x3;
	s11 =	sadd.s32 s6, s5  }
0xc: {  	s5 =	sadd.s32 $0x600, s5;
	s6 =	sor.u32 $0x1C01, s31;
	s8 =	sadd.s32 s8, s12  }
0xd: {  	s12 =	simm.s32 $0x2880;
	s7 =	sadd.s32 $0xC00, s11;
	s11 =	simm.s32 $0x1  }
.LBB2_1:
0xe: {  	[spmem:s10], [sflag:s6] =	dma.local [hbm:s5], $0x500  }
0xf: {  	_ =	swait.ge [sflag:s11], $0x500  }
0x10: {  	[sflag:s11] =	ssyncset.done $0x0  }
0x11: {  	[sflag:s11] =	ssyncadd.s32 $0xFFFFFB00  }
0x12: {  	[tilespmem:s3], [sflag:$0x1] =	stream.linear.gather [hbm4b:s7+s3], $0x2880, $0x38;
	[tilespmem:$0x5880] =	vst v63  }
0x13: {  	_ =	swait.ge [sflag:s11], $0x2880  }
0x14: {  	[sflag:s11] =	ssyncset.done $0x0  }
0x15: {  	[sflag:s11] =	ssyncadd.s32 $0xFFFFD780  }
0x16: {  	[tilespmem:s12], [sflag:$0x1] =	stream.linear.gather [hbm4b:s4+s3], $0x800, $0x38;
	[tilespmem:$0x5880] =	vst v63  }
0x17: {  	_ =	swait.ge [sflag:s11], $0x800  }
0x18: {  	[sflag:s11] =	ssyncset.done $0x0  }
0x19: {  	[sflag:s11] =	ssyncadd.s32 $0xFFFFF800  }
0x1a: {  	s15 =	simm.s32 $0x0;
	[bflag:$0x0] =	sbarrier.arrive $0xFFFF  }
0x1b: {  	[spmem:s2] =	stream.indirect.scatter.add.f32 [tilespmem:s12], [sflag:$0x1], $0x10, s15, s13, $0xb8;
	[tilespmem:$0x5880] =	vst v63  }
0x1c: {  	_ =	swait.ge [sflag:s11], $0x800  }
0x1d: {  	s15 =	simm.s32 $0x200;
	[sflag:s11] =	ssyncset.done $0x0  }
.LBB2_2:
0x1e: {  	s16 =	sshra.s32 s15, $0x2;
	[sflag:s11] =	ssyncadd.s32 $0xFFFFF800;
	p0 =	sne.s32 s15, $0xA000  }
0x1f: {  	[spmem:s2] =	stream.indirect.scatter.add.f32 [tilespmem:s12], [sflag:$0x1], $0x10, s16, s13, $0xb8;
	[tilespmem:$0x5880] =	vst v63  }
.Ltmp0:
0x20: {  	_ = 	snop;
	(pc) =	sbr.rel @p0 .LBB2_2-.Ltmp0, $4  }
0x21: {  	_ = 	snop  }
0x22: {  	s15 =	sadd.s32 $0x200, s15  }
0x23: {  	_ =	swait.ge [sflag:s11], $0x800  }
0x24: {  	[sflag:s11] =	ssyncset.done $0x0  }
0x25: {  	s14 =	sadd.s32 $0x1, s14  }
0x26: {  	[sflag:s11] =	ssyncadd.s32 $0xFFFFF800;
	p0 =	sne.s32 s14, s9  }
.Ltmp1:
0x27: {  	[bflag:$0x0] =	sbarrier.arrive $0xFFFF;
	(pc) =	sbr.rel @p0 .LBB2_1-.Ltmp1, $4  }
0x28: {  	[hbm:s8], [sflag:s6] =	dma.local [spmem:s10], $0x500  }
0x29: {  	_ =	swait.ge [sflag:s11], $0x500  }
0x2a: {  	[sflag:s11] =	ssyncset.done $0x0  }
0x2b: {  	[sflag:s11] =	ssyncadd.s32 $0xFFFFFB00  }
0x2c: {  	_ =	sfence.sel $0x180000  }
0x2d: {  	[bflag:$0x0] =	sbarrier.arrive $0xFFFF  }
0x2e: {  	p0 =	sne.s32 s0, $0x0;
	_ =	strace $0x90000047  }
0x2f: {  	s0 =	sadd.s32 @!p0 $0x100000, s1;
	[bflag:$0x2] =	sbarrier.arrive $0xFFFF  }
0x30: {  	[sflag:s0] =	ssyncadd.tile.s32 @!p0 $0x1;
	_ =	shalt  }
.Lfunc_end2:
_tile_overlayer_lowered:
.L_overlay_start_2:
0x31: {  	(tag) =	ssettag $0x2  }
0x32: {  	s0 =	rddreg [dreg:$0x0];
	s2 =	stileid.u32  }
0x33: {  	s1 =	rddreg [dreg:$0x1];
	p0 =	sne.s32 s2, $0x0  }
0x34: {  	s3 =	rddreg [dreg:$0x2];
	[bflag:$0x3] =	sbarrier.arrive $0xFFFF;
	s2 =	simm.s32 @!p0 $0x1C01  }
0x35: {  	[timem:s3], [sflag:s2] =	dma.local @!p0 [hbm:s0], s1  }
0x36: {  	s0 =	simm.s32 @!p0 $0x1  }
0x37: {  	_ =	swait.ge @!p0 [sflag:s0], s1  }
0x38: {  	s1 =	ssub.s32 @!p0 $0x0, s1;
	[sflag:s0] =	ssyncset.done @!p0 $0x0  }
0x39: {  	[sflag:s0] =	ssyncadd.s32 @!p0 s1  }
0x3a: {  	[bflag:$0x3] =	sbarrier.arrive $0xFFFF  }
0x3b: {  	_ =	shalt  }

</sc_bundles>
